<compile_context>
chip_gen: v7x
topology: tpu7x:2x2x1
jax: 0.10.2.dev20260603
libtpu: 0.0.44.dev20260713+nightly
codegen_flags: <defaults>
</compile_context>

<pallas_src>
import functools

import jax
import jax.numpy as jnp
from jax import lax
from jax.experimental import pallas as pl
from jax.experimental.pallas import tpu as pltpu
from jax.experimental.pallas import tpu_sc as plsc

EMBED_DIM = 128
NUM_CORES = 2
NUM_SUBCORES = 16
NUM_WORKERS = NUM_CORES * NUM_SUBCORES
CHUNK = 128


NBUF = 4


def _make_emb_kernel(num_chunks: int):
    mesh = plsc.VectorSubcoreMesh(
        core_axis_name="c", subcore_axis_name="s"
    )

    row_bufs = [pltpu.VMEM((CHUNK, EMBED_DIM), jnp.float32) for _ in range(NBUF)]
    gather_sems = [pltpu.SemaphoreType.DMA for _ in range(NBUF)]
    wb_sems = [pltpu.SemaphoreType.DMA for _ in range(NBUF)]

    @functools.partial(
        pl.kernel,
        out_type=jax.ShapeDtypeStruct(
            (NUM_WORKERS, num_chunks, CHUNK, EMBED_DIM), jnp.float32
        ),
        mesh=mesh,
        scratch_types=[pltpu.VMEM((num_chunks, CHUNK), jnp.int32)]
        + row_bufs
        + gather_sems
        + wb_sems,
    )
    def emb(idx_hbm, table_hbm, out_hbm, idx_v, *bufs_and_sems):
        rows = bufs_and_sems[:NBUF]
        gsem = bufs_and_sems[NBUF : 2 * NBUF]
        wsem = bufs_and_sems[2 * NBUF :]
        wid = lax.axis_index("s") * NUM_CORES + lax.axis_index("c")
        pltpu.sync_copy(idx_hbm.at[wid], idx_v)

        for b in range(NBUF):
            pltpu.async_copy(table_hbm.at[idx_v.at[b]], rows[b], gsem[b])

        def outer(jo, carry):
            for b in range(NBUF):
                j = jo * NBUF + b
                pltpu.make_async_copy(
                    table_hbm.at[idx_v.at[j]], rows[b], gsem[b]
                ).wait()
                pltpu.async_copy(rows[b], out_hbm.at[wid, j], wsem[b])

                @pl.when(j + NBUF < num_chunks)
                def _():
                    pltpu.make_async_copy(
                        rows[b], out_hbm.at[wid, j], wsem[b]
                    ).wait()
                    pltpu.async_copy(
                        table_hbm.at[idx_v.at[j + NBUF]], rows[b], gsem[b]
                    )

                @pl.when(j + NBUF >= num_chunks)
                def _():
                    pltpu.make_async_copy(
                        rows[b], out_hbm.at[wid, j], wsem[b]
                    ).wait()
            return carry

        lax.fori_loop(0, num_chunks // NBUF, outer, 0)

    return emb


@jax.jit
def kernel(indices, table):
    batch, hist = indices.shape
    total = batch * hist
    rows_per_worker = total // NUM_WORKERS
    num_chunks = rows_per_worker // CHUNK
    idx3 = indices.reshape(NUM_WORKERS, num_chunks, CHUNK).astype(jnp.int32)
    out = _make_emb_kernel(num_chunks)(idx3, table)
    return out.reshape(batch, hist, EMBED_DIM)

# --- scband reference (transcript-rebuilt; emitter-appended) ---
"""Pipeline reference for scband-base-model-64647847740208 (READ-ONLY COPY).

The authoritative reference and input builder live on the scoring server;
editing this copy changes nothing except your own understanding.
"""

import jax, jax.numpy as jnp
import numpy as np

VOCAB = 100000
EMBED_DIM = 128
PADDING_ID = 0
BATCH = 4096
HIST_LEN = 200


def setup_inputs(seed: int = 0) -> dict:
    key = jax.random.key(seed)
    k_idx, k_tab = jax.random.split(key)
    indices = jax.random.randint(k_idx, (BATCH, HIST_LEN), 0, VOCAB, dtype=jnp.int64 if jax.config.read('jax_enable_x64') else jnp.int32)
    table = jax.random.normal(k_tab, (VOCAB, EMBED_DIM), dtype=jnp.float32)
    # nn.Embedding with padding_idx initializes the padding row to zeros
    table = table.at[PADDING_ID].set(0.0)
    return {"indices": indices, "table": table}


def reference(indices, table):
    # nn.Embedding forward: gather rows of the table by index.
    # The padding row is zero (set at init), so lookups of padding_id return zeros.
    return jnp.take(table, indices, axis=0)

if __name__ == "__main__":
    import jax
    _d = setup_inputs()
    print(jax.jit(kernel)(*tuple(_d.values())))

</pallas_src>

<mosaic_0001>
#map = affine_map<(d0, d1) -> (0, 0, 0)>
#map1 = affine_map<(d0, d1) -> (0, 0)>
#map2 = affine_map<(d0, d1) -> (0, 0, 0, 0)>
module attributes {stable_mosaic.version = 14 : i64} {
  func.func @emb(%arg0: i32, %arg1: i32, %arg2: memref<32x200x128xi32, #tpu.memory_space<hbm>>, %arg3: memref<100000x128xf32, #tpu.memory_space<hbm>>, %arg4: memref<32x200x128x128xf32, #tpu.memory_space<hbm>>, %arg5: memref<200x128xi32, #tpu.memory_space<vmem>>, %arg6: memref<128x128xf32, #tpu.memory_space<vmem>>, %arg7: memref<128x128xf32, #tpu.memory_space<vmem>>, %arg8: memref<128x128xf32, #tpu.memory_space<vmem>>, %arg9: memref<128x128xf32, #tpu.memory_space<vmem>>, %arg10: memref<!tpu.dma_semaphore, #tpu.memory_space<semaphore_mem>>, %arg11: memref<!tpu.dma_semaphore, #tpu.memory_space<semaphore_mem>>, %arg12: memref<!tpu.dma_semaphore, #tpu.memory_space<semaphore_mem>>, %arg13: memref<!tpu.dma_semaphore, #tpu.memory_space<semaphore_mem>>, %arg14: memref<!tpu.dma_semaphore, #tpu.memory_space<semaphore_mem>>, %arg15: memref<!tpu.dma_semaphore, #tpu.memory_space<semaphore_mem>>, %arg16: memref<!tpu.dma_semaphore, #tpu.memory_space<semaphore_mem>>, %arg17: memref<!tpu.dma_semaphore, #tpu.memory_space<semaphore_mem>>) attributes {dimension_semantics = [#tpu.dimension_semantics<core_parallel>, #tpu.dimension_semantics<subcore_parallel>], iteration_bounds = array<i64: 2, 16>, scalar_prefetch = 0 : i64, scratch_operands = 13 : i64, tpu.core_type = #tpu.core_type<sc_vector_subcore>, window_params = [{transform_indices = #map}, {transform_indices = #map1}, {transform_indices = #map2}]} {
    %mul3A = arith.constant 2 : i32
    %mul3A_0 = arith.muli %arg1, %mul3A : i32
    %add3A = arith.addi %mul3A_0, %arg0 : i32
    "tpu.region"() ({
      %run_scoped3A = tpu.sem_alloc : memref<!tpu.dma_semaphore, #tpu.memory_space<semaphore_mem>>
      %dma_start3A_33 = arith.constant 0 : i32
      %dma_start3A_34 = arith.constant 0 : i32
      %dma_start3A_35 = tpu.memref_slice %arg2[%add3A, %dma_start3A_33, %dma_start3A_34] : memref<32x200x128xi32, #tpu.memory_space<hbm>> -> memref<1x200x128xi32, #tpu.memory_space<hbm>>
      %dma_start3A_36 = tpu.memref_squeeze %dma_start3A_35 : memref<1x200x128xi32, #tpu.memory_space<hbm>> -> memref<200x128xi32, #tpu.memory_space<hbm>>
      %dma_start3A_37 = arith.constant 0 : i32
      %dma_start3A_38 = arith.constant 0 : i32
      %dma_start3A_39 = tpu.memref_slice %arg2[%add3A, %dma_start3A_37, %dma_start3A_38] : memref<32x200x128xi32, #tpu.memory_space<hbm>> -> memref<1x200x128xi32, #tpu.memory_space<hbm>>
      %dma_start3A_40 = tpu.memref_squeeze %dma_start3A_39 : memref<1x200x128xi32, #tpu.memory_space<hbm>> -> memref<200x128xi32, #tpu.memory_space<hbm>>
      tpu.enqueue_dma source(%dma_start3A_40 : memref<200x128xi32, #tpu.memory_space<hbm>>) target(%arg5 : memref<200x128xi32, #tpu.memory_space<vmem>>) target_semaphore(%run_scoped3A : memref<!tpu.dma_semaphore, #tpu.memory_space<semaphore_mem>>)
      %dma_wait3A = arith.constant 0 : i32
      %dma_wait3A_41 = arith.constant 0 : i32
      %dma_wait3A_42 = tpu.memref_slice %arg2[%add3A, %dma_wait3A, %dma_wait3A_41] : memref<32x200x128xi32, #tpu.memory_space<hbm>> -> memref<1x200x128xi32, #tpu.memory_space<hbm>>
      %dma_wait3A_43 = tpu.memref_squeeze %dma_wait3A_42 : memref<1x200x128xi32, #tpu.memory_space<hbm>> -> memref<200x128xi32, #tpu.memory_space<hbm>>
      %dma_wait3A_44 = arith.constant 0 : i32
      %dma_wait3A_45 = arith.constant 0 : i32
      %dma_wait3A_46 = tpu.memref_slice %arg2[%add3A, %dma_wait3A_44, %dma_wait3A_45] : memref<32x200x128xi32, #tpu.memory_space<hbm>> -> memref<1x200x128xi32, #tpu.memory_space<hbm>>
      %dma_wait3A_47 = tpu.memref_squeeze %dma_wait3A_46 : memref<1x200x128xi32, #tpu.memory_space<hbm>> -> memref<200x128xi32, #tpu.memory_space<hbm>>
      tpu.wait_dma2 semaphore(%run_scoped3A : memref<!tpu.dma_semaphore, #tpu.memory_space<semaphore_mem>>) src(%dma_wait3A_47 : memref<200x128xi32, #tpu.memory_space<hbm>>) dst(%arg5 : memref<200x128xi32, #tpu.memory_space<vmem>>)
      tpu.yield
    }) : () -> ()
    %dma_start3A = arith.constant 0 : i32
    %dma_start3A_1 = arith.constant 0 : i32
    %dma_start3A_2 = tpu.memref_slice %arg5[%dma_start3A, %dma_start3A_1] : memref<200x128xi32, #tpu.memory_space<vmem>> -> memref<1x128xi32, #tpu.memory_space<vmem>>
    %dma_start3A_3 = tpu.memref_squeeze %dma_start3A_2 : memref<1x128xi32, #tpu.memory_space<vmem>> -> memref<128xi32, #tpu.memory_space<vmem>>
    %dma_start3A_4 = arith.constant 0 : i32
    %dma_start3A_5 = arith.constant 0 : i32
    %dma_start3A_6 = tpu.memref_slice %arg3[%dma_start3A_4, %dma_start3A_5] : memref<100000x128xf32, #tpu.memory_space<hbm>> -> memref<100000x128xf32, #tpu.memory_space<hbm>>
    tpu.enqueue_indirect_dma source(%dma_start3A_6 : memref<100000x128xf32, #tpu.memory_space<hbm>>) target(%arg6 : memref<128x128xf32, #tpu.memory_space<vmem>>) offsets(%dma_start3A_3 : memref<128xi32, #tpu.memory_space<vmem>>) semaphore(%arg10 : memref<!tpu.dma_semaphore, #tpu.memory_space<semaphore_mem>>)
    %dma_start3A_7 = arith.constant 1 : i32
    %dma_start3A_8 = arith.constant 0 : i32
    %dma_start3A_9 = tpu.memref_slice %arg5[%dma_start3A_7, %dma_start3A_8] : memref<200x128xi32, #tpu.memory_space<vmem>> -> memref<1x128xi32, #tpu.memory_space<vmem>>
    %dma_start3A_10 = tpu.memref_squeeze %dma_start3A_9 : memref<1x128xi32, #tpu.memory_space<vmem>> -> memref<128xi32, #tpu.memory_space<vmem>>
    %dma_start3A_11 = arith.constant 0 : i32
    %dma_start3A_12 = arith.constant 0 : i32
    %dma_start3A_13 = tpu.memref_slice %arg3[%dma_start3A_11, %dma_start3A_12] : memref<100000x128xf32, #tpu.memory_space<hbm>> -> memref<100000x128xf32, #tpu.memory_space<hbm>>
    tpu.enqueue_indirect_dma source(%dma_start3A_13 : memref<100000x128xf32, #tpu.memory_space<hbm>>) target(%arg7 : memref<128x128xf32, #tpu.memory_space<vmem>>) offsets(%dma_start3A_10 : memref<128xi32, #tpu.memory_space<vmem>>) semaphore(%arg11 : memref<!tpu.dma_semaphore, #tpu.memory_space<semaphore_mem>>)
    %dma_start3A_14 = arith.constant 2 : i32
    %dma_start3A_15 = arith.constant 0 : i32
    %dma_start3A_16 = tpu.memref_slice %arg5[%dma_start3A_14, %dma_start3A_15] : memref<200x128xi32, #tpu.memory_space<vmem>> -> memref<1x128xi32, #tpu.memory_space<vmem>>
    %dma_start3A_17 = tpu.memref_squeeze %dma_start3A_16 : memref<1x128xi32, #tpu.memory_space<vmem>> -> memref<128xi32, #tpu.memory_space<vmem>>
    %dma_start3A_18 = arith.constant 0 : i32
    %dma_start3A_19 = arith.constant 0 : i32
    %dma_start3A_20 = tpu.memref_slice %arg3[%dma_start3A_18, %dma_start3A_19] : memref<100000x128xf32, #tpu.memory_space<hbm>> -> memref<100000x128xf32, #tpu.memory_space<hbm>>
    tpu.enqueue_indirect_dma source(%dma_start3A_20 : memref<100000x128xf32, #tpu.memory_space<hbm>>) target(%arg8 : memref<128x128xf32, #tpu.memory_space<vmem>>) offsets(%dma_start3A_17 : memref<128xi32, #tpu.memory_space<vmem>>) semaphore(%arg12 : memref<!tpu.dma_semaphore, #tpu.memory_space<semaphore_mem>>)
    %dma_start3A_21 = arith.constant 3 : i32
    %dma_start3A_22 = arith.constant 0 : i32
    %dma_start3A_23 = tpu.memref_slice %arg5[%dma_start3A_21, %dma_start3A_22] : memref<200x128xi32, #tpu.memory_space<vmem>> -> memref<1x128xi32, #tpu.memory_space<vmem>>
    %dma_start3A_24 = tpu.memref_squeeze %dma_start3A_23 : memref<1x128xi32, #tpu.memory_space<vmem>> -> memref<128xi32, #tpu.memory_space<vmem>>
    %dma_start3A_25 = arith.constant 0 : i32
    %dma_start3A_26 = arith.constant 0 : i32
    %dma_start3A_27 = tpu.memref_slice %arg3[%dma_start3A_25, %dma_start3A_26] : memref<100000x128xf32, #tpu.memory_space<hbm>> -> memref<100000x128xf32, #tpu.memory_space<hbm>>
    tpu.enqueue_indirect_dma source(%dma_start3A_27 : memref<100000x128xf32, #tpu.memory_space<hbm>>) target(%arg9 : memref<128x128xf32, #tpu.memory_space<vmem>>) offsets(%dma_start3A_24 : memref<128xi32, #tpu.memory_space<vmem>>) semaphore(%arg13 : memref<!tpu.dma_semaphore, #tpu.memory_space<semaphore_mem>>)
    %scan3A = arith.constant 0 : i32
    %scan3A_28 = arith.constant 0 : i32
    %scan3A_29 = arith.constant 50 : i32
    %scan3A_30 = arith.addi %scan3A_28, %scan3A_29 : i32
    %scan3A_31 = arith.constant 1 : i32
    scf.for %scan3A_33 = %scan3A_28 to %scan3A_30 step %scan3A_31  : i32 {
      %mul3A_34 = arith.constant 4 : i32
      %mul3A_35 = arith.muli %scan3A_33, %mul3A_34 : i32
      %add3A_36 = arith.constant 0 : i32
      %add3A_37 = arith.addi %mul3A_35, %add3A_36 : i32
      %dma_wait3A = arith.constant 0 : i32
      %dma_wait3A_38 = tpu.memref_slice %arg5[%add3A_37, %dma_wait3A] : memref<200x128xi32, #tpu.memory_space<vmem>> -> memref<1x128xi32, #tpu.memory_space<vmem>>
      %dma_wait3A_39 = tpu.memref_squeeze %dma_wait3A_38 : memref<1x128xi32, #tpu.memory_space<vmem>> -> memref<128xi32, #tpu.memory_space<vmem>>
      %dma_wait3A_40 = arith.constant 0 : i32
      %dma_wait3A_41 = arith.constant 0 : i32
      %dma_wait3A_42 = tpu.memref_slice %arg3[%dma_wait3A_40, %dma_wait3A_41] : memref<100000x128xf32, #tpu.memory_space<hbm>> -> memref<100000x128xf32, #tpu.memory_space<hbm>>
      tpu.wait_indirect_dma semaphore(%arg10 : memref<!tpu.dma_semaphore, #tpu.memory_space<semaphore_mem>>) src(%dma_wait3A_42 : memref<100000x128xf32, #tpu.memory_space<hbm>>) dst(%arg6 : memref<128x128xf32, #tpu.memory_space<vmem>>)
      %dma_start3A_43 = arith.constant 0 : i32
      %dma_start3A_44 = arith.constant 0 : i32
      %dma_start3A_45 = tpu.memref_slice %arg4[%add3A, %add3A_37, %dma_start3A_43, %dma_start3A_44] : memref<32x200x128x128xf32, #tpu.memory_space<hbm>> -> memref<1x1x128x128xf32, #tpu.memory_space<hbm>>
      %dma_start3A_46 = tpu.memref_squeeze %dma_start3A_45 : memref<1x1x128x128xf32, #tpu.memory_space<hbm>> -> memref<128x128xf32, #tpu.memory_space<hbm>>
      %dma_start3A_47 = arith.constant 0 : i32
      %dma_start3A_48 = arith.constant 0 : i32
      %dma_start3A_49 = tpu.memref_slice %arg4[%add3A, %add3A_37, %dma_start3A_47, %dma_start3A_48] : memref<32x200x128x128xf32, #tpu.memory_space<hbm>> -> memref<1x1x128x128xf32, #tpu.memory_space<hbm>>
      %dma_start3A_50 = tpu.memref_squeeze %dma_start3A_49 : memref<1x1x128x128xf32, #tpu.memory_space<hbm>> -> memref<128x128xf32, #tpu.memory_space<hbm>>
      tpu.enqueue_dma source(%arg6 : memref<128x128xf32, #tpu.memory_space<vmem>>) target(%dma_start3A_50 : memref<128x128xf32, #tpu.memory_space<hbm>>) target_semaphore(%arg14 : memref<!tpu.dma_semaphore, #tpu.memory_space<semaphore_mem>>)
      %add3A_51 = arith.constant 4 : i32
      %add3A_52 = arith.addi %add3A_37, %add3A_51 : i32
      %lt3A = arith.constant 200 : i32
      %lt3A_53 = arith.cmpi slt, %add3A_52, %lt3A : i32
      %convert_element_type3A = arith.extui %lt3A_53 : i1 to i32
      %cond3A = arith.constant 0 : i32
      %cond3A_54 = arith.cmpi ne, %convert_element_type3A, %cond3A : i32
      scf.if %cond3A_54 {
        %dma_wait3A_157 = arith.constant 0 : i32
        %dma_wait3A_158 = arith.constant 0 : i32
        %dma_wait3A_159 = tpu.memref_slice %arg4[%add3A, %add3A_37, %dma_wait3A_157, %dma_wait3A_158] : memref<32x200x128x128xf32, #tpu.memory_space<hbm>> -> memref<1x1x128x128xf32, #tpu.memory_space<hbm>>
        %dma_wait3A_160 = tpu.memref_squeeze %dma_wait3A_159 : memref<1x1x128x128xf32, #tpu.memory_space<hbm>> -> memref<128x128xf32, #tpu.memory_space<hbm>>
        %dma_wait3A_161 = arith.constant 0 : i32
        %dma_wait3A_162 = arith.constant 0 : i32
        %dma_wait3A_163 = tpu.memref_slice %arg4[%add3A, %add3A_37, %dma_wait3A_161, %dma_wait3A_162] : memref<32x200x128x128xf32, #tpu.memory_space<hbm>> -> memref<1x1x128x128xf32, #tpu.memory_space<hbm>>
        %dma_wait3A_164 = tpu.memref_squeeze %dma_wait3A_163 : memref<1x1x128x128xf32, #tpu.memory_space<hbm>> -> memref<128x128xf32, #tpu.memory_space<hbm>>
        tpu.wait_dma2 semaphore(%arg14 : memref<!tpu.dma_semaphore, #tpu.memory_space<semaphore_mem>>) src(%arg6 : memref<128x128xf32, #tpu.memory_space<vmem>>) dst(%dma_wait3A_164 : memref<128x128xf32, #tpu.memory_space<hbm>>)
        %add3A_165 = arith.constant 4 : i32
        %add3A_166 = arith.addi %add3A_37, %add3A_165 : i32
        %dma_start3A_167 = arith.constant 0 : i32
        %dma_start3A_168 = tpu.memref_slice %arg5[%add3A_166, %dma_start3A_167] : memref<200x128xi32, #tpu.memory_space<vmem>> -> memref<1x128xi32, #tpu.memory_space<vmem>>
        %dma_start3A_169 = tpu.memref_squeeze %dma_start3A_168 : memref<1x128xi32, #tpu.memory_space<vmem>> -> memref<128xi32, #tpu.memory_space<vmem>>
        %dma_start3A_170 = arith.constant 0 : i32
        %dma_start3A_171 = arith.constant 0 : i32
        %dma_start3A_172 = tpu.memref_slice %arg3[%dma_start3A_170, %dma_start3A_171] : memref<100000x128xf32, #tpu.memory_space<hbm>> -> memref<100000x128xf32, #tpu.memory_space<hbm>>
        tpu.enqueue_indirect_dma source(%dma_start3A_172 : memref<100000x128xf32, #tpu.memory_space<hbm>>) target(%arg6 : memref<128x128xf32, #tpu.memory_space<vmem>>) offsets(%dma_start3A_169 : memref<128xi32, #tpu.memory_space<vmem>>) semaphore(%arg10 : memref<!tpu.dma_semaphore, #tpu.memory_space<semaphore_mem>>)
      } else {
      }
      %add3A_55 = arith.constant 4 : i32
      %add3A_56 = arith.addi %add3A_37, %add3A_55 : i32
      %ge3A = arith.constant 200 : i32
      %ge3A_57 = arith.cmpi sge, %add3A_56, %ge3A : i32
      %convert_element_type3A_58 = arith.extui %ge3A_57 : i1 to i32
      %cond3A_59 = arith.constant 0 : i32
      %cond3A_60 = arith.cmpi ne, %convert_element_type3A_58, %cond3A_59 : i32
      scf.if %cond3A_60 {
        %dma_wait3A_157 = arith.constant 0 : i32
        %dma_wait3A_158 = arith.constant 0 : i32
        %dma_wait3A_159 = tpu.memref_slice %arg4[%add3A, %add3A_37, %dma_wait3A_157, %dma_wait3A_158] : memref<32x200x128x128xf32, #tpu.memory_space<hbm>> -> memref<1x1x128x128xf32, #tpu.memory_space<hbm>>
        %dma_wait3A_160 = tpu.memref_squeeze %dma_wait3A_159 : memref<1x1x128x128xf32, #tpu.memory_space<hbm>> -> memref<128x128xf32, #tpu.memory_space<hbm>>
        %dma_wait3A_161 = arith.constant 0 : i32
        %dma_wait3A_162 = arith.constant 0 : i32
        %dma_wait3A_163 = tpu.memref_slice %arg4[%add3A, %add3A_37, %dma_wait3A_161, %dma_wait3A_162] : memref<32x200x128x128xf32, #tpu.memory_space<hbm>> -> memref<1x1x128x128xf32, #tpu.memory_space<hbm>>
        %dma_wait3A_164 = tpu.memref_squeeze %dma_wait3A_163 : memref<1x1x128x128xf32, #tpu.memory_space<hbm>> -> memref<128x128xf32, #tpu.memory_space<hbm>>
        tpu.wait_dma2 semaphore(%arg14 : memref<!tpu.dma_semaphore, #tpu.memory_space<semaphore_mem>>) src(%arg6 : memref<128x128xf32, #tpu.memory_space<vmem>>) dst(%dma_wait3A_164 : memref<128x128xf32, #tpu.memory_space<hbm>>)
      } else {
      }
      %mul3A_61 = arith.constant 4 : i32
      %mul3A_62 = arith.muli %scan3A_33, %mul3A_61 : i32
      %add3A_63 = arith.constant 1 : i32
      %add3A_64 = arith.addi %mul3A_62, %add3A_63 : i32
      %dma_wait3A_65 = arith.constant 0 : i32
      %dma_wait3A_66 = tpu.memref_slice %arg5[%add3A_64, %dma_wait3A_65] : memref<200x128xi32, #tpu.memory_space<vmem>> -> memref<1x128xi32, #tpu.memory_space<vmem>>
      %dma_wait3A_67 = tpu.memref_squeeze %dma_wait3A_66 : memref<1x128xi32, #tpu.memory_space<vmem>> -> memref<128xi32, #tpu.memory_space<vmem>>
      %dma_wait3A_68 = arith.constant 0 : i32
      %dma_wait3A_69 = arith.constant 0 : i32
      %dma_wait3A_70 = tpu.memref_slice %arg3[%dma_wait3A_68, %dma_wait3A_69] : memref<100000x128xf32, #tpu.memory_space<hbm>> -> memref<100000x128xf32, #tpu.memory_space<hbm>>
      tpu.wait_indirect_dma semaphore(%arg11 : memref<!tpu.dma_semaphore, #tpu.memory_space<semaphore_mem>>) src(%dma_wait3A_70 : memref<100000x128xf32, #tpu.memory_space<hbm>>) dst(%arg7 : memref<128x128xf32, #tpu.memory_space<vmem>>)
      %dma_start3A_71 = arith.constant 0 : i32
      %dma_start3A_72 = arith.constant 0 : i32
      %dma_start3A_73 = tpu.memref_slice %arg4[%add3A, %add3A_64, %dma_start3A_71, %dma_start3A_72] : memref<32x200x128x128xf32, #tpu.memory_space<hbm>> -> memref<1x1x128x128xf32, #tpu.memory_space<hbm>>
      %dma_start3A_74 = tpu.memref_squeeze %dma_start3A_73 : memref<1x1x128x128xf32, #tpu.memory_space<hbm>> -> memref<128x128xf32, #tpu.memory_space<hbm>>
      %dma_start3A_75 = arith.constant 0 : i32
      %dma_start3A_76 = arith.constant 0 : i32
      %dma_start3A_77 = tpu.memref_slice %arg4[%add3A, %add3A_64, %dma_start3A_75, %dma_start3A_76] : memref<32x200x128x128xf32, #tpu.memory_space<hbm>> -> memref<1x1x128x128xf32, #tpu.memory_space<hbm>>
      %dma_start3A_78 = tpu.memref_squeeze %dma_start3A_77 : memref<1x1x128x128xf32, #tpu.memory_space<hbm>> -> memref<128x128xf32, #tpu.memory_space<hbm>>
      tpu.enqueue_dma source(%arg7 : memref<128x128xf32, #tpu.memory_space<vmem>>) target(%dma_start3A_78 : memref<128x128xf32, #tpu.memory_space<hbm>>) target_semaphore(%arg15 : memref<!tpu.dma_semaphore, #tpu.memory_space<semaphore_mem>>)
      %add3A_79 = arith.constant 4 : i32
      %add3A_80 = arith.addi %add3A_64, %add3A_79 : i32
      %lt3A_81 = arith.constant 200 : i32
      %lt3A_82 = arith.cmpi slt, %add3A_80, %lt3A_81 : i32
      %convert_element_type3A_83 = arith.extui %lt3A_82 : i1 to i32
      %cond3A_84 = arith.constant 0 : i32
      %cond3A_85 = arith.cmpi ne, %convert_element_type3A_83, %cond3A_84 : i32
      scf.if %cond3A_85 {
        %dma_wait3A_157 = arith.constant 0 : i32
        %dma_wait3A_158 = arith.constant 0 : i32
        %dma_wait3A_159 = tpu.memref_slice %arg4[%add3A, %add3A_64, %dma_wait3A_157, %dma_wait3A_158] : memref<32x200x128x128xf32, #tpu.memory_space<hbm>> -> memref<1x1x128x128xf32, #tpu.memory_space<hbm>>
        %dma_wait3A_160 = tpu.memref_squeeze %dma_wait3A_159 : memref<1x1x128x128xf32, #tpu.memory_space<hbm>> -> memref<128x128xf32, #tpu.memory_space<hbm>>
        %dma_wait3A_161 = arith.constant 0 : i32
        %dma_wait3A_162 = arith.constant 0 : i32
        %dma_wait3A_163 = tpu.memref_slice %arg4[%add3A, %add3A_64, %dma_wait3A_161, %dma_wait3A_162] : memref<32x200x128x128xf32, #tpu.memory_space<hbm>> -> memref<1x1x128x128xf32, #tpu.memory_space<hbm>>
        %dma_wait3A_164 = tpu.memref_squeeze %dma_wait3A_163 : memref<1x1x128x128xf32, #tpu.memory_space<hbm>> -> memref<128x128xf32, #tpu.memory_space<hbm>>
        tpu.wait_dma2 semaphore(%arg15 : memref<!tpu.dma_semaphore, #tpu.memory_space<semaphore_mem>>) src(%arg7 : memref<128x128xf32, #tpu.memory_space<vmem>>) dst(%dma_wait3A_164 : memref<128x128xf32, #tpu.memory_space<hbm>>)
        %add3A_165 = arith.constant 4 : i32
        %add3A_166 = arith.addi %add3A_64, %add3A_165 : i32
        %dma_start3A_167 = arith.constant 0 : i32
        %dma_start3A_168 = tpu.memref_slice %arg5[%add3A_166, %dma_start3A_167] : memref<200x128xi32, #tpu.memory_space<vmem>> -> memref<1x128xi32, #tpu.memory_space<vmem>>
        %dma_start3A_169 = tpu.memref_squeeze %dma_start3A_168 : memref<1x128xi32, #tpu.memory_space<vmem>> -> memref<128xi32, #tpu.memory_space<vmem>>
        %dma_start3A_170 = arith.constant 0 : i32
        %dma_start3A_171 = arith.constant 0 : i32
        %dma_start3A_172 = tpu.memref_slice %arg3[%dma_start3A_170, %dma_start3A_171] : memref<100000x128xf32, #tpu.memory_space<hbm>> -> memref<100000x128xf32, #tpu.memory_space<hbm>>
        tpu.enqueue_indirect_dma source(%dma_start3A_172 : memref<100000x128xf32, #tpu.memory_space<hbm>>) target(%arg7 : memref<128x128xf32, #tpu.memory_space<vmem>>) offsets(%dma_start3A_169 : memref<128xi32, #tpu.memory_space<vmem>>) semaphore(%arg11 : memref<!tpu.dma_semaphore, #tpu.memory_space<semaphore_mem>>)
      } else {
      }
      %add3A_86 = arith.constant 4 : i32
      %add3A_87 = arith.addi %add3A_64, %add3A_86 : i32
      %ge3A_88 = arith.constant 200 : i32
      %ge3A_89 = arith.cmpi sge, %add3A_87, %ge3A_88 : i32
      %convert_element_type3A_90 = arith.extui %ge3A_89 : i1 to i32
      %cond3A_91 = arith.constant 0 : i32
      %cond3A_92 = arith.cmpi ne, %convert_element_type3A_90, %cond3A_91 : i32
      scf.if %cond3A_92 {
        %dma_wait3A_157 = arith.constant 0 : i32
        %dma_wait3A_158 = arith.constant 0 : i32
        %dma_wait3A_159 = tpu.memref_slice %arg4[%add3A, %add3A_64, %dma_wait3A_157, %dma_wait3A_158] : memref<32x200x128x128xf32, #tpu.memory_space<hbm>> -> memref<1x1x128x128xf32, #tpu.memory_space<hbm>>
        %dma_wait3A_160 = tpu.memref_squeeze %dma_wait3A_159 : memref<1x1x128x128xf32, #tpu.memory_space<hbm>> -> memref<128x128xf32, #tpu.memory_space<hbm>>
        %dma_wait3A_161 = arith.constant 0 : i32
        %dma_wait3A_162 = arith.constant 0 : i32
        %dma_wait3A_163 = tpu.memref_slice %arg4[%add3A, %add3A_64, %dma_wait3A_161, %dma_wait3A_162] : memref<32x200x128x128xf32, #tpu.memory_space<hbm>> -> memref<1x1x128x128xf32, #tpu.memory_space<hbm>>
        %dma_wait3A_164 = tpu.memref_squeeze %dma_wait3A_163 : memref<1x1x128x128xf32, #tpu.memory_space<hbm>> -> memref<128x128xf32, #tpu.memory_space<hbm>>
        tpu.wait_dma2 semaphore(%arg15 : memref<!tpu.dma_semaphore, #tpu.memory_space<semaphore_mem>>) src(%arg7 : memref<128x128xf32, #tpu.memory_space<vmem>>) dst(%dma_wait3A_164 : memref<128x128xf32, #tpu.memory_space<hbm>>)
      } else {
      }
      %mul3A_93 = arith.constant 4 : i32
      %mul3A_94 = arith.muli %scan3A_33, %mul3A_93 : i32
      %add3A_95 = arith.constant 2 : i32
      %add3A_96 = arith.addi %mul3A_94, %add3A_95 : i32
      %dma_wait3A_97 = arith.constant 0 : i32
      %dma_wait3A_98 = tpu.memref_slice %arg5[%add3A_96, %dma_wait3A_97] : memref<200x128xi32, #tpu.memory_space<vmem>> -> memref<1x128xi32, #tpu.memory_space<vmem>>
      %dma_wait3A_99 = tpu.memref_squeeze %dma_wait3A_98 : memref<1x128xi32, #tpu.memory_space<vmem>> -> memref<128xi32, #tpu.memory_space<vmem>>
      %dma_wait3A_100 = arith.constant 0 : i32
      %dma_wait3A_101 = arith.constant 0 : i32
      %dma_wait3A_102 = tpu.memref_slice %arg3[%dma_wait3A_100, %dma_wait3A_101] : memref<100000x128xf32, #tpu.memory_space<hbm>> -> memref<100000x128xf32, #tpu.memory_space<hbm>>
      tpu.wait_indirect_dma semaphore(%arg12 : memref<!tpu.dma_semaphore, #tpu.memory_space<semaphore_mem>>) src(%dma_wait3A_102 : memref<100000x128xf32, #tpu.memory_space<hbm>>) dst(%arg8 : memref<128x128xf32, #tpu.memory_space<vmem>>)
      %dma_start3A_103 = arith.constant 0 : i32
      %dma_start3A_104 = arith.constant 0 : i32
      %dma_start3A_105 = tpu.memref_slice %arg4[%add3A, %add3A_96, %dma_start3A_103, %dma_start3A_104] : memref<32x200x128x128xf32, #tpu.memory_space<hbm>> -> memref<1x1x128x128xf32, #tpu.memory_space<hbm>>
      %dma_start3A_106 = tpu.memref_squeeze %dma_start3A_105 : memref<1x1x128x128xf32, #tpu.memory_space<hbm>> -> memref<128x128xf32, #tpu.memory_space<hbm>>
      %dma_start3A_107 = arith.constant 0 : i32
      %dma_start3A_108 = arith.constant 0 : i32
      %dma_start3A_109 = tpu.memref_slice %arg4[%add3A, %add3A_96, %dma_start3A_107, %dma_start3A_108] : memref<32x200x128x128xf32, #tpu.memory_space<hbm>> -> memref<1x1x128x128xf32, #tpu.memory_space<hbm>>
      %dma_start3A_110 = tpu.memref_squeeze %dma_start3A_109 : memref<1x1x128x128xf32, #tpu.memory_space<hbm>> -> memref<128x128xf32, #tpu.memory_space<hbm>>
      tpu.enqueue_dma source(%arg8 : memref<128x128xf32, #tpu.memory_space<vmem>>) target(%dma_start3A_110 : memref<128x128xf32, #tpu.memory_space<hbm>>) target_semaphore(%arg16 : memref<!tpu.dma_semaphore, #tpu.memory_space<semaphore_mem>>)
      %add3A_111 = arith.constant 4 : i32
      %add3A_112 = arith.addi %add3A_96, %add3A_111 : i32
      %lt3A_113 = arith.constant 200 : i32
      %lt3A_114 = arith.cmpi slt, %add3A_112, %lt3A_113 : i32
      %convert_element_type3A_115 = arith.extui %lt3A_114 : i1 to i32
      %cond3A_116 = arith.constant 0 : i32
      %cond3A_117 = arith.cmpi ne, %convert_element_type3A_115, %cond3A_116 : i32
      scf.if %cond3A_117 {
        %dma_wait3A_157 = arith.constant 0 : i32
        %dma_wait3A_158 = arith.constant 0 : i32
        %dma_wait3A_159 = tpu.memref_slice %arg4[%add3A, %add3A_96, %dma_wait3A_157, %dma_wait3A_158] : memref<32x200x128x128xf32, #tpu.memory_space<hbm>> -> memref<1x1x128x128xf32, #tpu.memory_space<hbm>>
        %dma_wait3A_160 = tpu.memref_squeeze %dma_wait3A_159 : memref<1x1x128x128xf32, #tpu.memory_space<hbm>> -> memref<128x128xf32, #tpu.memory_space<hbm>>
        %dma_wait3A_161 = arith.constant 0 : i32
        %dma_wait3A_162 = arith.constant 0 : i32
        %dma_wait3A_163 = tpu.memref_slice %arg4[%add3A, %add3A_96, %dma_wait3A_161, %dma_wait3A_162] : memref<32x200x128x128xf32, #tpu.memory_space<hbm>> -> memref<1x1x128x128xf32, #tpu.memory_space<hbm>>
        %dma_wait3A_164 = tpu.memref_squeeze %dma_wait3A_163 : memref<1x1x128x128xf32, #tpu.memory_space<hbm>> -> memref<128x128xf32, #tpu.memory_space<hbm>>
        tpu.wait_dma2 semaphore(%arg16 : memref<!tpu.dma_semaphore, #tpu.memory_space<semaphore_mem>>) src(%arg8 : memref<128x128xf32, #tpu.memory_space<vmem>>) dst(%dma_wait3A_164 : memref<128x128xf32, #tpu.memory_space<hbm>>)
        %add3A_165 = arith.constant 4 : i32
        %add3A_166 = arith.addi %add3A_96, %add3A_165 : i32
        %dma_start3A_167 = arith.constant 0 : i32
        %dma_start3A_168 = tpu.memref_slice %arg5[%add3A_166, %dma_start3A_167] : memref<200x128xi32, #tpu.memory_space<vmem>> -> memref<1x128xi32, #tpu.memory_space<vmem>>
        %dma_start3A_169 = tpu.memref_squeeze %dma_start3A_168 : memref<1x128xi32, #tpu.memory_space<vmem>> -> memref<128xi32, #tpu.memory_space<vmem>>
        %dma_start3A_170 = arith.constant 0 : i32
        %dma_start3A_171 = arith.constant 0 : i32
        %dma_start3A_172 = tpu.memref_slice %arg3[%dma_start3A_170, %dma_start3A_171] : memref<100000x128xf32, #tpu.memory_space<hbm>> -> memref<100000x128xf32, #tpu.memory_space<hbm>>
        tpu.enqueue_indirect_dma source(%dma_start3A_172 : memref<100000x128xf32, #tpu.memory_space<hbm>>) target(%arg8 : memref<128x128xf32, #tpu.memory_space<vmem>>) offsets(%dma_start3A_169 : memref<128xi32, #tpu.memory_space<vmem>>) semaphore(%arg12 : memref<!tpu.dma_semaphore, #tpu.memory_space<semaphore_mem>>)
      } else {
      }
      %add3A_118 = arith.constant 4 : i32
      %add3A_119 = arith.addi %add3A_96, %add3A_118 : i32
      %ge3A_120 = arith.constant 200 : i32
      %ge3A_121 = arith.cmpi sge, %add3A_119, %ge3A_120 : i32
      %convert_element_type3A_122 = arith.extui %ge3A_121 : i1 to i32
      %cond3A_123 = arith.constant 0 : i32
      %cond3A_124 = arith.cmpi ne, %convert_element_type3A_122, %cond3A_123 : i32
      scf.if %cond3A_124 {
        %dma_wait3A_157 = arith.constant 0 : i32
        %dma_wait3A_158 = arith.constant 0 : i32
        %dma_wait3A_159 = tpu.memref_slice %arg4[%add3A, %add3A_96, %dma_wait3A_157, %dma_wait3A_158] : memref<32x200x128x128xf32, #tpu.memory_space<hbm>> -> memref<1x1x128x128xf32, #tpu.memory_space<hbm>>
        %dma_wait3A_160 = tpu.memref_squeeze %dma_wait3A_159 : memref<1x1x128x128xf32, #tpu.memory_space<hbm>> -> memref<128x128xf32, #tpu.memory_space<hbm>>
        %dma_wait3A_161 = arith.constant 0 : i32
        %dma_wait3A_162 = arith.constant 0 : i32
        %dma_wait3A_163 = tpu.memref_slice %arg4[%add3A, %add3A_96, %dma_wait3A_161, %dma_wait3A_162] : memref<32x200x128x128xf32, #tpu.memory_space<hbm>> -> memref<1x1x128x128xf32, #tpu.memory_space<hbm>>
        %dma_wait3A_164 = tpu.memref_squeeze %dma_wait3A_163 : memref<1x1x128x128xf32, #tpu.memory_space<hbm>> -> memref<128x128xf32, #tpu.memory_space<hbm>>
        tpu.wait_dma2 semaphore(%arg16 : memref<!tpu.dma_semaphore, #tpu.memory_space<semaphore_mem>>) src(%arg8 : memref<128x128xf32, #tpu.memory_space<vmem>>) dst(%dma_wait3A_164 : memref<128x128xf32, #tpu.memory_space<hbm>>)
      } else {
      }
      %mul3A_125 = arith.constant 4 : i32
      %mul3A_126 = arith.muli %scan3A_33, %mul3A_125 : i32
      %add3A_127 = arith.constant 3 : i32
      %add3A_128 = arith.addi %mul3A_126, %add3A_127 : i32
      %dma_wait3A_129 = arith.constant 0 : i32
      %dma_wait3A_130 = tpu.memref_slice %arg5[%add3A_128, %dma_wait3A_129] : memref<200x128xi32, #tpu.memory_space<vmem>> -> memref<1x128xi32, #tpu.memory_space<vmem>>
      %dma_wait3A_131 = tpu.memref_squeeze %dma_wait3A_130 : memref<1x128xi32, #tpu.memory_space<vmem>> -> memref<128xi32, #tpu.memory_space<vmem>>
      %dma_wait3A_132 = arith.constant 0 : i32
      %dma_wait3A_133 = arith.constant 0 : i32
      %dma_wait3A_134 = tpu.memref_slice %arg3[%dma_wait3A_132, %dma_wait3A_133] : memref<100000x128xf32, #tpu.memory_space<hbm>> -> memref<100000x128xf32, #tpu.memory_space<hbm>>
      tpu.wait_indirect_dma semaphore(%arg13 : memref<!tpu.dma_semaphore, #tpu.memory_space<semaphore_mem>>) src(%dma_wait3A_134 : memref<100000x128xf32, #tpu.memory_space<hbm>>) dst(%arg9 : memref<128x128xf32, #tpu.memory_space<vmem>>)
      %dma_start3A_135 = arith.constant 0 : i32
      %dma_start3A_136 = arith.constant 0 : i32
      %dma_start3A_137 = tpu.memref_slice %arg4[%add3A, %add3A_128, %dma_start3A_135, %dma_start3A_136] : memref<32x200x128x128xf32, #tpu.memory_space<hbm>> -> memref<1x1x128x128xf32, #tpu.memory_space<hbm>>
      %dma_start3A_138 = tpu.memref_squeeze %dma_start3A_137 : memref<1x1x128x128xf32, #tpu.memory_space<hbm>> -> memref<128x128xf32, #tpu.memory_space<hbm>>
      %dma_start3A_139 = arith.constant 0 : i32
      %dma_start3A_140 = arith.constant 0 : i32
      %dma_start3A_141 = tpu.memref_slice %arg4[%add3A, %add3A_128, %dma_start3A_139, %dma_start3A_140] : memref<32x200x128x128xf32, #tpu.memory_space<hbm>> -> memref<1x1x128x128xf32, #tpu.memory_space<hbm>>
      %dma_start3A_142 = tpu.memref_squeeze %dma_start3A_141 : memref<1x1x128x128xf32, #tpu.memory_space<hbm>> -> memref<128x128xf32, #tpu.memory_space<hbm>>
      tpu.enqueue_dma source(%arg9 : memref<128x128xf32, #tpu.memory_space<vmem>>) target(%dma_start3A_142 : memref<128x128xf32, #tpu.memory_space<hbm>>) target_semaphore(%arg17 : memref<!tpu.dma_semaphore, #tpu.memory_space<semaphore_mem>>)
      %add3A_143 = arith.constant 4 : i32
      %add3A_144 = arith.addi %add3A_128, %add3A_143 : i32
      %lt3A_145 = arith.constant 200 : i32
      %lt3A_146 = arith.cmpi slt, %add3A_144, %lt3A_145 : i32
      %convert_element_type3A_147 = arith.extui %lt3A_146 : i1 to i32
      %cond3A_148 = arith.constant 0 : i32
      %cond3A_149 = arith.cmpi ne, %convert_element_type3A_147, %cond3A_148 : i32
      scf.if %cond3A_149 {
        %dma_wait3A_157 = arith.constant 0 : i32
        %dma_wait3A_158 = arith.constant 0 : i32
        %dma_wait3A_159 = tpu.memref_slice %arg4[%add3A, %add3A_128, %dma_wait3A_157, %dma_wait3A_158] : memref<32x200x128x128xf32, #tpu.memory_space<hbm>> -> memref<1x1x128x128xf32, #tpu.memory_space<hbm>>
        %dma_wait3A_160 = tpu.memref_squeeze %dma_wait3A_159 : memref<1x1x128x128xf32, #tpu.memory_space<hbm>> -> memref<128x128xf32, #tpu.memory_space<hbm>>
        %dma_wait3A_161 = arith.constant 0 : i32
        %dma_wait3A_162 = arith.constant 0 : i32
        %dma_wait3A_163 = tpu.memref_slice %arg4[%add3A, %add3A_128, %dma_wait3A_161, %dma_wait3A_162] : memref<32x200x128x128xf32, #tpu.memory_space<hbm>> -> memref<1x1x128x128xf32, #tpu.memory_space<hbm>>
        %dma_wait3A_164 = tpu.memref_squeeze %dma_wait3A_163 : memref<1x1x128x128xf32, #tpu.memory_space<hbm>> -> memref<128x128xf32, #tpu.memory_space<hbm>>
        tpu.wait_dma2 semaphore(%arg17 : memref<!tpu.dma_semaphore, #tpu.memory_space<semaphore_mem>>) src(%arg9 : memref<128x128xf32, #tpu.memory_space<vmem>>) dst(%dma_wait3A_164 : memref<128x128xf32, #tpu.memory_space<hbm>>)
        %add3A_165 = arith.constant 4 : i32
        %add3A_166 = arith.addi %add3A_128, %add3A_165 : i32
        %dma_start3A_167 = arith.constant 0 : i32
        %dma_start3A_168 = tpu.memref_slice %arg5[%add3A_166, %dma_start3A_167] : memref<200x128xi32, #tpu.memory_space<vmem>> -> memref<1x128xi32, #tpu.memory_space<vmem>>
        %dma_start3A_169 = tpu.memref_squeeze %dma_start3A_168 : memref<1x128xi32, #tpu.memory_space<vmem>> -> memref<128xi32, #tpu.memory_space<vmem>>
        %dma_start3A_170 = arith.constant 0 : i32
        %dma_start3A_171 = arith.constant 0 : i32
        %dma_start3A_172 = tpu.memref_slice %arg3[%dma_start3A_170, %dma_start3A_171] : memref<100000x128xf32, #tpu.memory_space<hbm>> -> memref<100000x128xf32, #tpu.memory_space<hbm>>
        tpu.enqueue_indirect_dma source(%dma_start3A_172 : memref<100000x128xf32, #tpu.memory_space<hbm>>) target(%arg9 : memref<128x128xf32, #tpu.memory_space<vmem>>) offsets(%dma_start3A_169 : memref<128xi32, #tpu.memory_space<vmem>>) semaphore(%arg13 : memref<!tpu.dma_semaphore, #tpu.memory_space<semaphore_mem>>)
      } else {
      }
      %add3A_150 = arith.constant 4 : i32
      %add3A_151 = arith.addi %add3A_128, %add3A_150 : i32
      %ge3A_152 = arith.constant 200 : i32
      %ge3A_153 = arith.cmpi sge, %add3A_151, %ge3A_152 : i32
      %convert_element_type3A_154 = arith.extui %ge3A_153 : i1 to i32
      %cond3A_155 = arith.constant 0 : i32
      %cond3A_156 = arith.cmpi ne, %convert_element_type3A_154, %cond3A_155 : i32
      scf.if %cond3A_156 {
        %dma_wait3A_157 = arith.constant 0 : i32
        %dma_wait3A_158 = arith.constant 0 : i32
        %dma_wait3A_159 = tpu.memref_slice %arg4[%add3A, %add3A_128, %dma_wait3A_157, %dma_wait3A_158] : memref<32x200x128x128xf32, #tpu.memory_space<hbm>> -> memref<1x1x128x128xf32, #tpu.memory_space<hbm>>
        %dma_wait3A_160 = tpu.memref_squeeze %dma_wait3A_159 : memref<1x1x128x128xf32, #tpu.memory_space<hbm>> -> memref<128x128xf32, #tpu.memory_space<hbm>>
        %dma_wait3A_161 = arith.constant 0 : i32
        %dma_wait3A_162 = arith.constant 0 : i32
        %dma_wait3A_163 = tpu.memref_slice %arg4[%add3A, %add3A_128, %dma_wait3A_161, %dma_wait3A_162] : memref<32x200x128x128xf32, #tpu.memory_space<hbm>> -> memref<1x1x128x128xf32, #tpu.memory_space<hbm>>
        %dma_wait3A_164 = tpu.memref_squeeze %dma_wait3A_163 : memref<1x1x128x128xf32, #tpu.memory_space<hbm>> -> memref<128x128xf32, #tpu.memory_space<hbm>>
        tpu.wait_dma2 semaphore(%arg17 : memref<!tpu.dma_semaphore, #tpu.memory_space<semaphore_mem>>) src(%arg9 : memref<128x128xf32, #tpu.memory_space<vmem>>) dst(%dma_wait3A_164 : memref<128x128xf32, #tpu.memory_space<hbm>>)
      } else {
      }
    }
    %scan3A_32 = arith.constant 50 : i32
    return
  }
}

</mosaic_0001>

<sc_bundles>
// kernel: kernel.3.cloned.1.call-start
scs
__scs_entry_jumppad:
0x0: {  	(pc) =	sbr.rel $0x88, $3  }
0x1: {  	(tag) =	ssettag $0x0;
	lr =	simm.s32 $0x1  }
0x2: {  	[smem:$0x3F9F] =	sst lr;
	_ =	strace $0xD0000000  }
0x3: {  	_ = 	snop  }
0x4: {  	_ = 	snop  }
0x5: {  	_ = 	snop  }
0x6: {  	_ = 	snop  }
0x7: {  	_ = 	snop  }
__scs_overlays_trampoline_lowered:
0x8: {  	[smem:$0x3FAE] =	sst s0  }
0x9: {  	[smem:$0x3FAF] =	sst s1  }
0xa: {  	[smem:$0x3FB0] =	sst s2  }
0xb: {  	[smem:$0x3FB1] =	sst s3  }
0xc: {  	[smem:$0x3FB2] =	sst s4  }
0xd: {  	[smem:$0x3FB3] =	sst s5  }
0xe: {  	[smem:$0x3FB4] =	sst s6  }
0xf: {  	[smem:$0x3FB5] =	sst s7  }
0x10: {  	[smem:$0x3FB6] =	sst s8  }
0x11: {  	[smem:$0x3FB7] =	sst s9;
	s0 =	simm.s32 @!p0 $0x0  }
0x12: {  	s1 =	sld [smem:$0x3F9D];
	s0 =	simm.s32 @p0 $0x1  }
0x13: {  	[smem:$0x3FB8] =	sst s0;
	s0 =	simm.s32 @!p1 $0x0  }
0x14: {  	s2 =	sld [smem:$0x3F9C];
	s0 =	simm.s32 @p1 $0x1  }
0x15: {  	[smem:$0x3FB9] =	sst s0;
	s0 =	simm.s32 @!p2 $0x0  }
0x16: {  	s3 =	sld [smem:$0x3FDB];
	s0 =	simm.s32 @p2 $0x1  }
0x17: {  	s4 =	simm.s32 $0x1BF5;
	[smem:$0x3FBB] =	sst s0  }
0x18: {  	s0 =	sld [smem:$0x3F9E];
	_ =	swait.ge [sflag:s4], $0x0  }
0x19: {  	s7 =	sld [smem:$0x3F9F]  }
0x1a: {  	s8 =	sadd.s32 $0xFFFFE003, lr  }
0x1b: {  	s9 =	sadd.s32 $0xFFFFFEF7, lr;
	s5 =	simm.s32 $0xFFFFFFFF;
	p2 =	slt.u32 s8, $0xFFFFF086  }
0x1c: {  	p1 =	slt.u32 s9, $0xF7A;
	s5 =	simm.s32 @!p2 $0x0  }
0x1d: {  	s5 =	simm.s32 @p1 $0x1;
	p0 =	seq.s32 s7, s2  }
0x1e: {  	s7 =	smul.u32 @!p0 $0xF7A, s2;
	p2 =	seq.s32 @!p0 s5, $0x0  }
0x1f: {  	s9 =	smul.u32 $0xF7A, s1;
	s8 =	simm.s32 @!p0 $0x1BF5;
	p2 =	por !p2, p0  }
0x20: {  	[sflag:s8] =	ssyncset.s32 @!p0 $0xFFFFF086;
	s6 =	sadd.s32 @!p0 s3, s7;
	s7 =	simm.s32 @!p0 $0x108  }
0x21: {  	s3 =	sadd.s32 s3, s9;
	s6 =	sadd.s32 @!p0 $0x88, s6;
	s7 =	simm.s32 @p2 $0x1082  }
0x22: {  	[simem:s7], [sflag:s8] =	dma.local @!p0 [hbm:s6], $0xF7A  }
0x23: {  	s9 =	sor.u32 $0xD0000000, s2;
	s6 =	simm.s32 $0x108;
	_ =	swait.ge @!p0 [sflag:s8], $0x0  }
0x24: {  	s3 =	sadd.s32 $0x88, s3;
	s6 =	simm.s32 @!p1 $0x1082;
	[sflag:s4] =	ssyncset.s32 $0xFFFFF086  }
0x25: {  	[simem:s6], [sflag:s4] =	dma.local [hbm:s3], $0xF7A  }
0x26: {  	[smem:$0x3F9F] =	sst s1;
	(tag) =	ssettag s2;
	_ =	strace s9  }
0x27: {  	s1 =	sld [smem:$0x3FAF]  }
0x28: {  	s2 =	sld [smem:$0x3FB0]  }
0x29: {  	s4 =	sld [smem:$0x3FB2]  }
0x2a: {  	p0 =	seq.s32 s5, $0x0;
	s5 =	sld [smem:$0x3FB3]  }
0x2b: {  	s6 =	sld [smem:$0x3FB4]  }
0x2c: {  	s7 =	sld [smem:$0x3FB5]  }
0x2d: {  	s3 =	simm.s32 $0x108;
	s8 =	sld [smem:$0x3FB6]  }
0x2e: {  	s3 =	simm.s32 @!p0 $0x1082;
	s9 =	sld [smem:$0x3FB7]  }
0x2f: {  	lr =	sadd.s32 s0, s3;
	s0 =	sld [smem:$0x3FAE]  }
0x30: {  	s3 =	sld [smem:$0x3FB1]  }
0x31: {  	[smem:$0x3FBA] =	sst s10  }
0x32: {  	s10 =	sld [smem:$0x3FB8];
	_ =	sdelay $0x3  }
0x33: {  	p0 =	seq.s32 s10, $0x1;
	s10 =	sld [smem:$0x3FBA];
	_ =	sdelay $0x3  }
0x34: {  	[smem:$0x3FBA] =	sst s10  }
0x35: {  	s10 =	sld [smem:$0x3FB9];
	_ =	sdelay $0x3  }
0x36: {  	p1 =	seq.s32 s10, $0x1;
	s10 =	sld [smem:$0x3FBA];
	_ =	sdelay $0x3  }
0x37: {  	[smem:$0x3FBA] =	sst s10  }
0x38: {  	s10 =	sld [smem:$0x3FBB]  }
0x39: {  	_ = 	snop;
	(pc) =	sbr.ind lr, $3  }
0x3a: {  	_ = 	snop  }
0x3b: {  	_ = 	snop  }
0x3c: {  	p2 =	seq.s32 s10, $0x1;
	s10 =	sld [smem:$0x3FBA]  }
0x3d: {  	_ =	shalt  }
0x3e: {  	_ =	shalt  }
0x3f: {  	_ =	shalt  }
0x40: {  	_ =	shalt  }
0x41: {  	_ =	shalt  }
0x42: {  	_ =	shalt  }
0x43: {  	_ =	shalt  }
0x44: {  	_ =	shalt  }
0x45: {  	_ =	shalt  }
0x46: {  	_ =	shalt  }
0x47: {  	_ =	shalt  }
0x48: {  	_ =	shalt  }
0x49: {  	_ =	shalt  }
0x4a: {  	_ =	shalt  }
0x4b: {  	_ =	shalt  }
0x4c: {  	_ =	shalt  }
0x4d: {  	_ =	shalt  }
0x4e: {  	_ =	shalt  }
0x4f: {  	_ =	shalt  }
0x50: {  	_ =	shalt  }
0x51: {  	_ =	shalt  }
0x52: {  	_ =	shalt  }
0x53: {  	_ =	shalt  }
0x54: {  	_ =	shalt  }
0x55: {  	_ =	shalt  }
0x56: {  	_ =	shalt  }
0x57: {  	_ =	shalt  }
0x58: {  	_ =	shalt  }
0x59: {  	_ =	shalt  }
0x5a: {  	_ =	shalt  }
0x5b: {  	_ =	shalt  }
0x5c: {  	_ =	shalt  }
0x5d: {  	_ =	shalt  }
0x5e: {  	_ =	shalt  }
0x5f: {  	_ =	shalt  }
0x60: {  	_ =	shalt  }
0x61: {  	_ =	shalt  }
0x62: {  	_ =	shalt  }
0x63: {  	_ =	shalt  }
0x64: {  	_ =	shalt  }
0x65: {  	_ =	shalt  }
0x66: {  	_ =	shalt  }
0x67: {  	_ =	shalt  }
0x68: {  	_ =	shalt  }
0x69: {  	_ =	shalt  }
0x6a: {  	_ =	shalt  }
0x6b: {  	_ =	shalt  }
0x6c: {  	_ =	shalt  }
0x6d: {  	_ =	shalt  }
0x6e: {  	_ =	shalt  }
0x6f: {  	_ =	shalt  }
0x70: {  	_ =	shalt  }
0x71: {  	_ =	shalt  }
0x72: {  	_ =	shalt  }
0x73: {  	_ =	shalt  }
0x74: {  	_ =	shalt  }
0x75: {  	_ =	shalt  }
0x76: {  	_ =	shalt  }
0x77: {  	_ =	shalt  }
0x78: {  	_ =	shalt  }
0x79: {  	_ =	shalt  }
0x7a: {  	_ =	shalt  }
0x7b: {  	_ =	shalt  }
0x7c: {  	_ =	shalt  }
0x7d: {  	_ =	shalt  }
0x7e: {  	_ =	shalt  }
0x7f: {  	_ =	shalt  }
0x80: {  	_ =	shalt  }
0x81: {  	_ =	shalt  }
0x82: {  	_ =	shalt  }
0x83: {  	_ =	shalt  }
0x84: {  	_ =	shalt  }
0x85: {  	_ =	shalt  }
0x86: {  	_ =	shalt  }
0x87: {  	_ =	shalt  }
.Lfunc_end0:
.L_simem_size_0:
called_computation_lowered:
.L_overlay_start_0:
0x88: {  	s2 =	sld [smem:$0x3FD9]  }
0x89: {  	s3 =	sld [smem:$0x3FFE];
	_ =	sdelay $0x1  }
0x8a: {  	s1 =	srdreg.scid  }
0x8b: {  	s0 =	sand.u32 $0x1, s1  }
0x8c: {  	s17 =	sshll.u32 s0, $0xA;
	s2 =	sadd.s32 s3, s2  }
0x8d: {  	s2 =	sadd.s32 s2, s17  }
0x8e: {  	[smem:$0x3FC6] =	sst s2  }
0x8f: {  	_ = 	snop  }
0x90: {  	s2 =	sld [smem:$0x3FC8]  }
0x91: {  	s18 =	sld [smem:$0x3FD0];
	(tm) =	ssettm $0x1  }
0x92: {  	s4 =	sld [smem:$0x3FFB];
	_ =	sdelay $0x3  }
0x93: {  	_ =	strace s4  }
0x94: {  	s4 =	sld [smem:$0x3FFC];
	_ =	sdelay $0x3  }
0x95: {  	_ =	strace s4  }
0x96: {  	s4 =	sld [smem:$0x3FFD];
	_ =	sdelay $0x3  }
0x97: {  	_ =	strace s4  }
0x98: {  	_ =	strace $0x8FFFFFFF  }
0x99: {  	s19 =	sld [smem:$0x3FDB];
	_ =	sdelay $0x1  }
0x9a: {  	s5 =	simm.s32 $_scs_section_size  }
0x9b: {  	s6 =	simm.s32 $_size__tile_overlayer_lowered;
	s7 =	simm.s32 $_tile_overlayer_lowered  }
0x9c: {  	s22 =	simm.s32 $0x1BFF;
	s21 =	sshll.u32 s7, $0x1;
	s4 =	sadd.s32 s5, s19  }
0x9d: {  	s8 =	simm.s32 $0x0;
	s20 =	sshll.u32 s6, $0x1;
	s6 =	sadd.s32 s21, s4  }
0x9e: {  	[timem:s8], [sflag:s22] =	dma.local [hbm:s6], s20  }
0x9f: {  	_ =	swait.ge [sflag:s22], s20  }
0xa0: {  	s5 =	ssub.s32 $0x0, s20;
	[sflag:s22] =	ssyncset.done $0x0  }
0xa1: {  	[sflag:s22] =	ssyncadd.s32 s5;
	_ =	sdelay $0x1  }
0xa2: {  	s23 =	simm.s32 $0x1B8B  }
0xa3: {  	_ =	swait.ge [sflag:s23], $0x1  }
0xa4: {  	[sflag:s23] =	ssyncset.done $0x0  }
0xa5: {  	s25 =	simm.s32 $0x1B8E;
	s24 =	sld [smem:$0x3FFE];
	[sflag:s23] =	ssyncadd.s32 $0xFFFFFFFF  }
0xa6: {  	s26 =	simm.s32 $execute0_lowered;
	[smem:$0x3FD2] =	sst s25  }
0xa7: {  	s6 =	sshll.u32 s26, $0x1;
	_ =	strace $0x80000046;
	[dreg:$0x1] =	wrdreg $0xFFFFFFFF  }
0xa8: {  	s28 =	simm.s32 $_size_execute0_lowered;
	s4 =	sadd.s32 s4, s6;
	[dreg:$0x0] =	wrdreg $0x0  }
0xa9: {  	s6 =	sshll.u32 s28, $0x1;
	[dreg:$0x2] =	wrdreg s4  }
0xaa: {  	[dreg:$0x3] =	wrdreg s6  }
0xab: {  	[dreg:$0x4] =	wrdreg $0xC0  }
0xac: {  	_ =	task [dreg:s8], $0x5FFFF  }
0xad: {  	[dreg:$0x1] =	wrdreg $0xFFFFFFFF  }
0xae: {  	[dreg:$0x0] =	wrdreg $0x60  }
0xaf: {  	[dreg:$0x2] =	wrdreg s24  }
0xb0: {  	[dreg:$0x3] =	wrdreg s2  }
0xb1: {  	[dreg:$0x4] =	wrdreg s18  }
0xb2: {  	[dreg:$0x5] =	wrdreg $0x9  }
0xb3: {  	_ =	task.clear_ibuf [dreg:s8], $0x6FFFF;
	_ =	strace $0x90000046  }
0xb4: {  	s29 =	simm.s32 $0x9;
	_ =	strace $0x80000048  }
0xb5: {  	_ =	swait.ge [sflag:s29], $0x1  }
0xb6: {  	[sflag:s29] =	ssyncadd.s32 $0xFFFFFFFF  }
0xb7: {  	_ =	strace $0x90000048  }
0xb8: {  	_ =	sfence  }
0xb9: {  	s30 =	sld [smem:$0x0];
	_ =	sdelay $0x2  }
0xba: {  	s31 =	sshll.u32 s1, $0xD;
	s1 =	sshrl.u32 s1, $0x2  }
0xbb: {  	s3 =	sand.u32 $0x4000, s31;
	s1 =	sadd.s32 s1, s30  }
0xbc: {  	s0 =	sor.u32 s3, s0;
	s1 =	sshll.u32 s1, $0x11  }
0xbd: {  	s0 =	sor.u32 s1, s0  }
0xbe: {  	s0 =	sadd.s32 $0x8F2B, s0  }
0xbf: {  	[sflag:s0] =	ssyncadd.remote.s32 $0x1  }
0xc0: {  	_ =	sfence.sel $0xFFFF  }
0xc1: {  	[dreg:$0x0] =	wrdreg $0xFFFFFFFF;
	(pc) =	sbr.abs _section_cstart, $3  }
0xc2: {  	[dreg:$0x1] =	wrdreg $0xFFFFFFFF  }
0xc3: {  	_ =	task.clear_ibuf [dreg:s8], $0x2FFFF;
	_ =	strace $0x9FFFFFFF  }
0xc4: {  	(tm) =	ssettm $0x7FFFFFFF  }
0xc5: {  	_ =	shalt  }
tec
execute0_lowered:
.L_overlay_start_1:
0x0: {  	(tag) =	ssettag $0x1  }
0x1: {  	s1 =	srdreg.scid;
	s4 =	rddreg [dreg:$0x0]  }
0x2: {  	s0 =	stileid.u32;
	s2 =	rddreg [dreg:$0x1]  }
0x3: {  	s9 =	rddreg [dreg:$0x2];
	s10 =	simm.s32 $0x9;
	s11 =	simm.s32 $0x80  }
0x4: {  	s12 =	simm.s32 $0x6400;
	s13 =	simm.s32 $0xA400;
	s15 =	simm.s32 $0xE400  }
0x5: {  	s17 =	simm.s32 $0x12400;
	s18 =	simm.s32 $0x1;
	s19 =	simm.s32 $0x5  }
0x6: {  	s20 =	simm.s32 $0x2;
	s21 =	simm.s32 $0x6;
	s22 =	simm.s32 $0x3  }
0x7: {  	s23 =	simm.s32 $0x7;
	s24 =	simm.s32 $0x4;
	s25 =	simm.s32 $0x8  }
0x8: {  	s1 =	sand.u32 $0x1, s1;
	s3 =	sshll.u32 s0, $0x1;
	s6 =	smul.u32 $0x640000, s0  }
0x9: {  	s3 =	sor.u32 s1, s3;
	s7 =	ssub.s32 $0x2, s1;
	s1 =	smul.u32 $0x320000, s1  }
0xa: {  	s5 =	smul.u32 $0xC80, s3;
	s3 =	simm.s32 $0x0;
	s8 =	sshrl.u32 s7, $0x1  }
0xb: {  	s26 =	simm.s32 $0x0;
	[smem:$0x7FF] =	sst s3;
	s28 =	ssub.s32 s7, s8  }
0xc: {  	s1 =	sadd.s32 s1, s6;
	_ =	strace $0x80000047;
	s4 =	sadd.s32 s5, s4  }
.Ltmp0:
0xd: {  	s5 =	smax.u32 s28, $0x1;
	s6 =	sor.u32 $0xC000, s1;
	(pc) =	sbr.rel .LBB2_1-.Ltmp0, $4  }
0xe: {  	s30 =	sor.u32 $0x8000, s1;
	s31 =	sor.u32 $0x4000, s1;
	s1 =	sshrl.u32 s1, $0x3  }
0xf: {  	s29 =	sadd.s32 $0x400, s4;
	s6 =	sshrl.u32 s6, $0x3;
	s7 =	sshrl.u32 s30, $0x3  }
0x10: {  	s8 =	sshrl.u32 s31, $0x3;
	[dreg:$0x4] =	wrdreg s29;
	s6 =	sadd.s32 s6, s9  }
0x11: {  	s7 =	sadd.s32 s7, s9;
	s8 =	sadd.s32 s8, s9;
	s9 =	sadd.s32 s1, s9  }
.LBB2_4:
0x12: {  	s26 =	sadd.s32 $0x1, s26  }
0x13: {  	p0 =	sne.s32 s26, s5  }
.Ltmp1:
0x14: {  	_ = 	snop;
	(pc) =	sbr.rel @!p0 .LBB2_5-.Ltmp1, $1  }
0x15: {  	_ =	sdelay $0x3  }
.LBB2_1:
0x16: {  	s0 =	rddreg [dreg:$0x4]  }
0x17: {  	[tilespmem:s3], [sflag:$0x9] =	stream.linear.gather [hbm4b:s0+s3], $0x6400, $0x38;
	[tilespmem:$0x16400] =	vst v63  }
0x18: {  	_ =	swait.ge [sflag:s10], $0x6400  }
0x19: {  	[sflag:s10] =	ssyncset.done $0x0  }
0x1a: {  	[sflag:s10] =	ssyncadd.s32 $0xFFFF9C00  }
0x1b: {  	[tilespmem:s12], [sflag:$0x1] =	stream.indirect.gather [hbm4b:s2+s11], $0x80, s3, s11, $0xb8;
	[tilespmem:$0x16400] =	vst v63  }
0x1c: {  	s14 =	simm.s32 $0x100  }
0x1d: {  	[tilespmem:s13], [sflag:$0x2] =	stream.indirect.gather [hbm4b:s2+s11], $0x80, s11, s11, $0xb8;
	[tilespmem:$0x16400] =	vst v63  }
0x1e: {  	s16 =	simm.s32 $0x180;
	s28 =	smov.u32 s9;
	s29 =	smov.u32 s8  }
0x1f: {  	[tilespmem:s15], [sflag:$0x3] =	stream.indirect.gather [hbm4b:s2+s11], $0x80, s14, s11, $0xb8;
	[tilespmem:$0x16400] =	vst v63  }
0x20: {  	s30 =	smov.u32 s7;
	s31 =	smov.u32 s6;
	s1 =	simm.s32 $0x0  }
0x21: {  	[tilespmem:s17], [sflag:$0x4] =	stream.indirect.gather [hbm4b:s2+s11], $0x80, s16, s11, $0xb8;
	[tilespmem:$0x16400] =	vst v63  }
.LBB2_2:
0x22: {  	_ =	swait.ge [sflag:s18], $0x4000  }
0x23: {  	[sflag:s18] =	ssyncset.done $0x0  }
0x24: {  	[sflag:s18] =	ssyncadd.s32 $0xFFFFC000  }
0x25: {  	[hbm4b:s28+s3] =	stream.linear.scatter [tilespmem:s12], [sflag:$0x5], $0x4000, $0x38;
	[tilespmem:$0x16400] =	vst v63  }
0x26: {  	p0 =	seq.s32 s1, $0x18800;
	_ =	swait.ge [sflag:s19], $0x4000  }
0x27: {  	s0 =	sshra.s32 @!p0 s1, $0x2;
	s16 =	simm.s32 @!p0 $0x80;
	[sflag:s19] =	ssyncset.done $0x0  }
0x28: {  	s4 =	simm.s32 @!p0 $0x6400;
	s14 =	sadd.s32 @!p0 $0x200, s0;
	[sflag:s19] =	ssyncadd.s32 $0xFFFFC000  }
0x29: {  	[tilespmem:s4], [sflag:$0x1] =	stream.indirect.gather @!p0 [hbm4b:s2+s16], $0x80, s14, s16, $0xb8;
	[tilespmem:$0x16400] =	vst v63  }
0x2a: {  	_ =	swait.ge [sflag:s20], $0x4000  }
0x2b: {  	[sflag:s20] =	ssyncset.done $0x0  }
0x2c: {  	[sflag:s20] =	ssyncadd.s32 $0xFFFFC000  }
0x2d: {  	[hbm4b:s29+s3] =	stream.linear.scatter [tilespmem:s13], [sflag:$0x6], $0x4000, $0x38;
	[tilespmem:$0x16400] =	vst v63  }
0x2e: {  	_ =	swait.ge [sflag:s21], $0x4000  }
0x2f: {  	[sflag:s21] =	ssyncset.done $0x0  }
0x30: {  	s4 =	sadd.s32 @!p0 $0x280, s0;
	s14 =	simm.s32 @!p0 $0xA400;
	[sflag:s21] =	ssyncadd.s32 $0xFFFFC000  }
0x31: {  	[tilespmem:s14], [sflag:$0x2] =	stream.indirect.gather @!p0 [hbm4b:s2+s16], $0x80, s4, s16, $0xb8;
	[tilespmem:$0x16400] =	vst v63  }
0x32: {  	_ =	swait.ge [sflag:s22], $0x4000  }
0x33: {  	[sflag:s22] =	ssyncset.done $0x0  }
0x34: {  	[sflag:s22] =	ssyncadd.s32 $0xFFFFC000  }
0x35: {  	[hbm4b:s30+s3] =	stream.linear.scatter [tilespmem:s15], [sflag:$0x7], $0x4000, $0x38;
	[tilespmem:$0x16400] =	vst v63  }
0x36: {  	_ =	swait.ge [sflag:s23], $0x4000  }
0x37: {  	[sflag:s23] =	ssyncset.done $0x0  }
0x38: {  	s0 =	sadd.s32 @!p0 $0x300, s0;
	s4 =	simm.s32 @!p0 $0xE400;
	[sflag:s23] =	ssyncadd.s32 $0xFFFFC000  }
0x39: {  	[tilespmem:s4], [sflag:$0x3] =	stream.indirect.gather @!p0 [hbm4b:s2+s16], $0x80, s0, s16, $0xb8;
	[tilespmem:$0x16400] =	vst v63  }
0x3a: {  	_ =	swait.ge [sflag:s24], $0x4000  }
0x3b: {  	[sflag:s24] =	ssyncset.done $0x0  }
.Ltmp2:
0x3c: {  	[sflag:s24] =	ssyncadd.s32 $0xFFFFC000;
	(pc) =	sbr.rel @p0 .LBB2_4-.Ltmp2, $4  }
0x3d: {  	[hbm4b:s31+s3] =	stream.linear.scatter [tilespmem:s17], [sflag:$0x8], $0x4000, $0x38;
	[tilespmem:$0x16400] =	vst v63  }
0x3e: {  	_ =	swait.ge [sflag:s25], $0x4000  }
0x3f: {  	[sflag:s25] =	ssyncset.done $0x0  }
0x40: {  	[sflag:s25] =	ssyncadd.s32 $0xFFFFC000  }
.Ltmp3:
0x41: {  	(pc) =	sbr.rel .LBB2_2-.Ltmp3, $4  }
0x42: {  	s0 =	sshra.s32 s1, $0x2  }
0x43: {  	s1 =	sadd.s32 $0x800, s1;
	s31 =	sadd.s32 $0x2000, s31;
	s30 =	sadd.s32 $0x2000, s30  }
0x44: {  	s29 =	sadd.s32 $0x2000, s29;
	s28 =	sadd.s32 $0x2000, s28;
	s0 =	sadd.s32 $0x380, s0  }
0x45: {  	[tilespmem:s17], [sflag:$0x4] =	stream.indirect.gather [hbm4b:s2+s11], $0x80, s0, s11, $0xb8;
	[tilespmem:$0x16400] =	vst v63  }
.LBB2_5:
0x46: {  	_ =	sfence.sel $0x180000  }
0x47: {  	[bflag:$0x0] =	sbarrier.arrive $0xFFFF  }
0x48: {  	_ =	strace $0x90000047  }
0x49: {  	s0 =	stileid.u32;
	[bflag:$0x2] =	sbarrier.arrive $0xFFFF  }
0x4a: {  	p0 =	sne.s32 s0, $0x0;
	s0 =	rddreg [dreg:$0x3]  }
0x4b: {  	s0 =	sadd.s32 @!p0 $0x100000, s0  }
0x4c: {  	[sflag:s0] =	ssyncadd.tile.s32 @!p0 $0x1;
	_ =	shalt  }
.Lfunc_end2:
_tile_overlayer_lowered:
.L_overlay_start_2:
0x4d: {  	(tag) =	ssettag $0x2  }
0x4e: {  	s0 =	rddreg [dreg:$0x0];
	s2 =	stileid.u32  }
0x4f: {  	s1 =	rddreg [dreg:$0x1];
	p0 =	sne.s32 s2, $0x0  }
0x50: {  	s3 =	rddreg [dreg:$0x2];
	[bflag:$0x3] =	sbarrier.arrive $0xFFFF;
	s2 =	simm.s32 @!p0 $0x1C09  }
0x51: {  	[timem:s3], [sflag:s2] =	dma.local @!p0 [hbm:s0], s1  }
0x52: {  	s0 =	simm.s32 @!p0 $0x9  }
0x53: {  	_ =	swait.ge @!p0 [sflag:s0], s1  }
0x54: {  	s1 =	ssub.s32 @!p0 $0x0, s1;
	[sflag:s0] =	ssyncset.done @!p0 $0x0  }
0x55: {  	[sflag:s0] =	ssyncadd.s32 @!p0 s1  }
0x56: {  	[bflag:$0x3] =	sbarrier.arrive $0xFFFF  }
0x57: {  	_ =	shalt  }

</sc_bundles>
